<compile_context>
chip_gen: v7x
topology: tpu7x:2x2x1
jax: 0.10.2.dev20260603
libtpu: 0.0.44.dev20260713+nightly
codegen_flags: <defaults>
</compile_context>

<pallas_src>
import functools

import jax
import jax.numpy as jnp
from jax import lax
from jax.experimental import pallas as pl
from jax.experimental.pallas import tpu as pltpu
from jax.experimental.pallas import tpu_sc as plsc

_M = 8192
_N = 16384
_C = 128
_NQ = 128
_NB = 2048

_VS = (0.05, 0.05, 0.1)
_OFF = (0.05, 0.05, 0.1)

_NC = 2
_NS = 16
_B = 3 * _N
_BW = _B // (_NC * _NS)
_BCH = 512


def _nn_kernel(q_ref, xiT_ref, aux_ref):
    xiT = xiT_ref[...].astype(jnp.float32)
    kb = xiT[0:1, :]
    kx = (xiT[3:4, :] * _VS[0] + _OFF[0]) + 0.5 * _VS[0]
    ky = (xiT[2:3, :] * _VS[1] + _OFF[1]) + 0.5 * _VS[1]
    kz = (xiT[1:2, :] * _VS[2] + _OFF[2]) + 0.5 * _VS[2]
    kk = ((kb * kb + kx * kx) + ky * ky) + kz * kz
    kT = jnp.concatenate([kb, kx, ky, kz], axis=0)

    q = q_ref[...]
    q0 = q[:, 0:1]
    q1 = q[:, 1:2]
    q2 = q[:, 2:3]
    q3 = q[:, 3:4]
    qq = ((q0 * q0 + q1 * q1) + q2 * q2) + q3 * q3

    cross = jnp.dot(q, kT, preferred_element_type=jnp.float32)
    d2 = jnp.maximum((qq + kk) - 2.0 * cross, 0.0)

    big = jnp.float32(1e30)
    bigl = jnp.float32(_M)
    lane = jax.lax.broadcasted_iota(jnp.int32, (_NQ, _M), 1).astype(jnp.float32)

    m0 = jnp.min(d2, axis=1, keepdims=True)
    e0 = d2 == m0
    i0 = jnp.min(jnp.where(e0, lane, bigl), axis=1, keepdims=True)
    d2 = jnp.where(e0, big, d2)
    m1 = jnp.min(d2, axis=1, keepdims=True)
    e1 = d2 == m1
    i1 = jnp.min(jnp.where(e1, lane, bigl), axis=1, keepdims=True)
    d2 = jnp.where(e1, big, d2)
    m2 = jnp.min(d2, axis=1, keepdims=True)
    e2 = d2 == m2
    i2 = jnp.min(jnp.where(e2, lane, bigl), axis=1, keepdims=True)

    r0 = 1.0 / (m0 + 1e-8)
    r1 = 1.0 / (m1 + 1e-8)
    r2 = 1.0 / (m2 + 1e-8)
    norm = (r0 + r1) + r2
    w0 = r0 / norm
    w1 = r1 / norm
    w2 = r2 / norm

    aux_ref[...] = jnp.concatenate(
        [i0, i1, i2, w0, w1, w2, jnp.zeros((_NQ, _C - 6), jnp.float32)],
        axis=1)


def _sc_gather_kernel(table_hbm, idx_hbm, out_hbm, idx_v, rows_v, sem):
    wid = lax.axis_index("s") * _NC + lax.axis_index("c")
    base = wid * _BW
    for c in range(_BW // _BCH):
        off = base + c * _BCH
        pltpu.sync_copy(idx_hbm.at[pl.ds(off, _BCH)], idx_v)
        pltpu.async_copy(table_hbm.at[idx_v], rows_v, sem).wait()
        pltpu.sync_copy(rows_v, out_hbm.at[pl.ds(off, _BCH)])


def _combine_kernel(g0_ref, g1_ref, g2_ref, aux_ref, out_ref):
    aux = aux_ref[...]
    out_ref[...] = (g0_ref[...] * aux[:, 3:4]
                    + g1_ref[...] * aux[:, 4:5]
                    + g2_ref[...] * aux[:, 5:6])


def kernel(x_features, x_indices, points_mean):
    xiT = x_indices.astype(jnp.int32).T

    aux = pl.pallas_call(
        _nn_kernel,
        grid=(_N // _NQ,),
        in_specs=[
            pl.BlockSpec((_NQ, 4), lambda i: (i, 0)),
            pl.BlockSpec((4, _M), lambda i: (0, 0)),
        ],
        out_specs=pl.BlockSpec((_NQ, _C), lambda i: (i, 0)),
        out_shape=jax.ShapeDtypeStruct((_N, _C), jnp.float32),
    )(points_mean, xiT)

    idx_flat = aux[:, :3].astype(jnp.int32).T.reshape(_B)

    mesh = plsc.VectorSubcoreMesh(core_axis_name="c", subcore_axis_name="s")
    gathered = pl.kernel(
        _sc_gather_kernel,
        mesh=mesh,
        out_type=jax.ShapeDtypeStruct((_B, _C), jnp.float32),
        scratch_types=[
            pltpu.VMEM((_BCH,), jnp.int32),
            pltpu.VMEM((_BCH, _C), jnp.float32),
            pltpu.SemaphoreType.DMA,
        ],
    )(x_features, idx_flat)

    nblk = _N // _NB
    out = pl.pallas_call(
        _combine_kernel,
        grid=(nblk,),
        in_specs=[
            pl.BlockSpec((_NB, _C), lambda i: (i, 0)),
            pl.BlockSpec((_NB, _C), lambda i: (i + nblk, 0)),
            pl.BlockSpec((_NB, _C), lambda i: (i + 2 * nblk, 0)),
            pl.BlockSpec((_NB, _C), lambda i: (i, 0)),
        ],
        out_specs=pl.BlockSpec((_NB, _C), lambda i: (i, 0)),
        out_shape=jax.ShapeDtypeStruct((_N, _C), jnp.float32),
    )(gathered, gathered, gathered, aux)
    return out

# --- scband reference (transcript-rebuilt; emitter-appended) ---
"""Pipeline reference for scband-auxiliary-branch-58901181497480 (READ-ONLY COPY).

The authoritative reference and input builder live on the scoring server;
editing this copy changes nothing except your own understanding.
"""

import jax, jax.numpy as jnp
import numpy as np

M = 8192
N = 16384
C = 128
GRID = 1408
# NOTE: the torch module calls self.tensor2points(x, self.voxel_size), so the init
# voxel_size is passed as the *offset* positional arg; voxel_size inside
# tensor2points keeps its default (0.05, 0.05, 0.1). We replicate that faithfully.
INIT_VOXEL_SIZE = (0.05, 0.05, 0.1)  # acts as offset
DEFAULT_VOXEL_SIZE = (0.05, 0.05, 0.1)


def setup_inputs(seed=0) -> dict:
    key = jax.random.key(seed)
    k1, k2, k3 = jax.random.split(key, 3)
    x_features = jax.random.normal(k1, (M, C), dtype=jnp.float32)
    x_indices = jax.random.randint(k2, (M, 4), 0, GRID)
    points_mean = jax.random.normal(k3, (N, 4), dtype=jnp.float32)
    return {"x_features": x_features, "x_indices": x_indices, "points_mean": points_mean}


def _tensor2points(features, indices_int):
    offset = jnp.asarray(INIT_VOXEL_SIZE, dtype=jnp.float32)
    vs = jnp.asarray(DEFAULT_VOXEL_SIZE, dtype=jnp.float32)
    ind = indices_int.astype(jnp.float32)
    coords = ind[:, jnp.array([3, 2, 1])] * vs + offset + 0.5 * vs
    known = jnp.concatenate([ind[:, :1], coords], axis=1)  # (M, 4) bxyz
    return features, known


def _three_nn(unknown, known):
    # squared pairwise distances over bxyz, matching pointnet2 three_nn semantics
    d2 = (jnp.sum(unknown * unknown, axis=1, keepdims=True)
          + jnp.sum(known * known, axis=1)[None, :]
          - 2.0 * unknown @ known.T)
    d2 = jnp.maximum(d2, 0.0)
    neg_d, idx = jax.lax.top_k(-d2, 3)
    return -neg_d, idx


def _three_interpolate(known_feats, idx, weight):
    gathered = jnp.take(known_feats, idx, axis=0)  # (N, 3, C)
    return jnp.sum(gathered * weight[..., None], axis=1)  # (N, C)


def reference(x_features, x_indices, points_mean):
    x_fp_ft, x_fp_xyz = _tensor2points(x_features, x_indices)
    dist, idx = _three_nn(points_mean, x_fp_xyz)
    dist_recip = 1.0 / (dist + 1e-08)
    norm = jnp.sum(dist_recip, axis=1, keepdims=True)
    weight = dist_recip / norm
    x_fp = _three_interpolate(x_fp_ft, idx, weight)
    return x_fp

if __name__ == "__main__":
    import jax
    _d = setup_inputs()
    print(jax.jit(kernel)(*tuple(_d.values())))

</pallas_src>

<mosaic_0001>
#map = affine_map<(d0, d1) -> (0, 0)>
#map1 = affine_map<(d0, d1) -> (0)>
module attributes {stable_mosaic.version = 14 : i64} {
  func.func @_sc_gather_kernel(%arg0: i32, %arg1: i32, %arg2: memref<8192x128xf32, #tpu.memory_space<hbm>>, %arg3: memref<49152xi32, #tpu.memory_space<hbm>>, %arg4: memref<49152x128xf32, #tpu.memory_space<hbm>>, %arg5: memref<512xi32, #tpu.memory_space<vmem>>, %arg6: memref<512x128xf32, #tpu.memory_space<vmem>>, %arg7: memref<!tpu.dma_semaphore, #tpu.memory_space<semaphore_mem>>) attributes {dimension_semantics = [#tpu.dimension_semantics<core_parallel>, #tpu.dimension_semantics<subcore_parallel>], iteration_bounds = array<i64: 2, 16>, scalar_prefetch = 0 : i64, scratch_operands = 3 : i64, tpu.core_type = #tpu.core_type<sc_vector_subcore>, window_params = [{transform_indices = #map}, {transform_indices = #map1}, {transform_indices = #map}]} {
    %mul3A = arith.constant 2 : i32
    %mul3A_0 = arith.muli %arg1, %mul3A : i32
    %add3A = arith.addi %mul3A_0, %arg0 : i32
    %mul3A_1 = arith.constant 1536 : i32
    %mul3A_2 = arith.muli %add3A, %mul3A_1 : i32
    %add3A_3 = arith.constant 0 : i32
    %add3A_4 = arith.addi %mul3A_2, %add3A_3 : i32
    "tpu.region"() ({
      %run_scoped3A = tpu.sem_alloc : memref<!tpu.dma_semaphore, #tpu.memory_space<semaphore_mem>>
      %dma_start3A_25 = tpu.memref_slice %arg3[%add3A_4] : memref<49152xi32, #tpu.memory_space<hbm>> -> memref<512xi32, #tpu.memory_space<hbm>>
      %dma_start3A_26 = tpu.memref_slice %arg3[%add3A_4] : memref<49152xi32, #tpu.memory_space<hbm>> -> memref<512xi32, #tpu.memory_space<hbm>>
      tpu.enqueue_dma source(%dma_start3A_26 : memref<512xi32, #tpu.memory_space<hbm>>) target(%arg5 : memref<512xi32, #tpu.memory_space<vmem>>) target_semaphore(%run_scoped3A : memref<!tpu.dma_semaphore, #tpu.memory_space<semaphore_mem>>)
      %dma_wait3A_27 = tpu.memref_slice %arg3[%add3A_4] : memref<49152xi32, #tpu.memory_space<hbm>> -> memref<512xi32, #tpu.memory_space<hbm>>
      %dma_wait3A_28 = tpu.memref_slice %arg3[%add3A_4] : memref<49152xi32, #tpu.memory_space<hbm>> -> memref<512xi32, #tpu.memory_space<hbm>>
      tpu.wait_dma2 semaphore(%run_scoped3A : memref<!tpu.dma_semaphore, #tpu.memory_space<semaphore_mem>>) src(%dma_wait3A_28 : memref<512xi32, #tpu.memory_space<hbm>>) dst(%arg5 : memref<512xi32, #tpu.memory_space<vmem>>)
      tpu.yield
    }) : () -> ()
    %dma_start3A = arith.constant 0 : i32
    %dma_start3A_5 = arith.constant 0 : i32
    %dma_start3A_6 = tpu.memref_slice %arg2[%dma_start3A, %dma_start3A_5] : memref<8192x128xf32, #tpu.memory_space<hbm>> -> memref<8192x128xf32, #tpu.memory_space<hbm>>
    tpu.enqueue_indirect_dma source(%dma_start3A_6 : memref<8192x128xf32, #tpu.memory_space<hbm>>) target(%arg6 : memref<512x128xf32, #tpu.memory_space<vmem>>) offsets(%arg5 : memref<512xi32, #tpu.memory_space<vmem>>) semaphore(%arg7 : memref<!tpu.dma_semaphore, #tpu.memory_space<semaphore_mem>>)
    %dma_wait3A = arith.constant 0 : i32
    %dma_wait3A_7 = arith.constant 0 : i32
    %dma_wait3A_8 = tpu.memref_slice %arg2[%dma_wait3A, %dma_wait3A_7] : memref<8192x128xf32, #tpu.memory_space<hbm>> -> memref<8192x128xf32, #tpu.memory_space<hbm>>
    tpu.wait_indirect_dma semaphore(%arg7 : memref<!tpu.dma_semaphore, #tpu.memory_space<semaphore_mem>>) src(%dma_wait3A_8 : memref<8192x128xf32, #tpu.memory_space<hbm>>) dst(%arg6 : memref<512x128xf32, #tpu.memory_space<vmem>>)
    "tpu.region"() ({
      %run_scoped3A = tpu.sem_alloc : memref<!tpu.dma_semaphore, #tpu.memory_space<semaphore_mem>>
      %dma_start3A_25 = arith.constant 0 : i32
      %dma_start3A_26 = tpu.memref_slice %arg4[%add3A_4, %dma_start3A_25] : memref<49152x128xf32, #tpu.memory_space<hbm>> -> memref<512x128xf32, #tpu.memory_space<hbm>>
      %dma_start3A_27 = arith.constant 0 : i32
      %dma_start3A_28 = tpu.memref_slice %arg4[%add3A_4, %dma_start3A_27] : memref<49152x128xf32, #tpu.memory_space<hbm>> -> memref<512x128xf32, #tpu.memory_space<hbm>>
      tpu.enqueue_dma source(%arg6 : memref<512x128xf32, #tpu.memory_space<vmem>>) target(%dma_start3A_28 : memref<512x128xf32, #tpu.memory_space<hbm>>) target_semaphore(%run_scoped3A : memref<!tpu.dma_semaphore, #tpu.memory_space<semaphore_mem>>)
      %dma_wait3A_29 = arith.constant 0 : i32
      %dma_wait3A_30 = tpu.memref_slice %arg4[%add3A_4, %dma_wait3A_29] : memref<49152x128xf32, #tpu.memory_space<hbm>> -> memref<512x128xf32, #tpu.memory_space<hbm>>
      %dma_wait3A_31 = arith.constant 0 : i32
      %dma_wait3A_32 = tpu.memref_slice %arg4[%add3A_4, %dma_wait3A_31] : memref<49152x128xf32, #tpu.memory_space<hbm>> -> memref<512x128xf32, #tpu.memory_space<hbm>>
      tpu.wait_dma2 semaphore(%run_scoped3A : memref<!tpu.dma_semaphore, #tpu.memory_space<semaphore_mem>>) src(%arg6 : memref<512x128xf32, #tpu.memory_space<vmem>>) dst(%dma_wait3A_32 : memref<512x128xf32, #tpu.memory_space<hbm>>)
      tpu.yield
    }) : () -> ()
    %add3A_9 = arith.constant 512 : i32
    %add3A_10 = arith.addi %mul3A_2, %add3A_9 : i32
    "tpu.region"() ({
      %run_scoped3A = tpu.sem_alloc : memref<!tpu.dma_semaphore, #tpu.memory_space<semaphore_mem>>
      %dma_start3A_25 = tpu.memref_slice %arg3[%add3A_10] : memref<49152xi32, #tpu.memory_space<hbm>> -> memref<512xi32, #tpu.memory_space<hbm>>
      %dma_start3A_26 = tpu.memref_slice %arg3[%add3A_10] : memref<49152xi32, #tpu.memory_space<hbm>> -> memref<512xi32, #tpu.memory_space<hbm>>
      tpu.enqueue_dma source(%dma_start3A_26 : memref<512xi32, #tpu.memory_space<hbm>>) target(%arg5 : memref<512xi32, #tpu.memory_space<vmem>>) target_semaphore(%run_scoped3A : memref<!tpu.dma_semaphore, #tpu.memory_space<semaphore_mem>>)
      %dma_wait3A_27 = tpu.memref_slice %arg3[%add3A_10] : memref<49152xi32, #tpu.memory_space<hbm>> -> memref<512xi32, #tpu.memory_space<hbm>>
      %dma_wait3A_28 = tpu.memref_slice %arg3[%add3A_10] : memref<49152xi32, #tpu.memory_space<hbm>> -> memref<512xi32, #tpu.memory_space<hbm>>
      tpu.wait_dma2 semaphore(%run_scoped3A : memref<!tpu.dma_semaphore, #tpu.memory_space<semaphore_mem>>) src(%dma_wait3A_28 : memref<512xi32, #tpu.memory_space<hbm>>) dst(%arg5 : memref<512xi32, #tpu.memory_space<vmem>>)
      tpu.yield
    }) : () -> ()
    %dma_start3A_11 = arith.constant 0 : i32
    %dma_start3A_12 = arith.constant 0 : i32
    %dma_start3A_13 = tpu.memref_slice %arg2[%dma_start3A_11, %dma_start3A_12] : memref<8192x128xf32, #tpu.memory_space<hbm>> -> memref<8192x128xf32, #tpu.memory_space<hbm>>
    tpu.enqueue_indirect_dma source(%dma_start3A_13 : memref<8192x128xf32, #tpu.memory_space<hbm>>) target(%arg6 : memref<512x128xf32, #tpu.memory_space<vmem>>) offsets(%arg5 : memref<512xi32, #tpu.memory_space<vmem>>) semaphore(%arg7 : memref<!tpu.dma_semaphore, #tpu.memory_space<semaphore_mem>>)
    %dma_wait3A_14 = arith.constant 0 : i32
    %dma_wait3A_15 = arith.constant 0 : i32
    %dma_wait3A_16 = tpu.memref_slice %arg2[%dma_wait3A_14, %dma_wait3A_15] : memref<8192x128xf32, #tpu.memory_space<hbm>> -> memref<8192x128xf32, #tpu.memory_space<hbm>>
    tpu.wait_indirect_dma semaphore(%arg7 : memref<!tpu.dma_semaphore, #tpu.memory_space<semaphore_mem>>) src(%dma_wait3A_16 : memref<8192x128xf32, #tpu.memory_space<hbm>>) dst(%arg6 : memref<512x128xf32, #tpu.memory_space<vmem>>)
    "tpu.region"() ({
      %run_scoped3A = tpu.sem_alloc : memref<!tpu.dma_semaphore, #tpu.memory_space<semaphore_mem>>
      %dma_start3A_25 = arith.constant 0 : i32
      %dma_start3A_26 = tpu.memref_slice %arg4[%add3A_10, %dma_start3A_25] : memref<49152x128xf32, #tpu.memory_space<hbm>> -> memref<512x128xf32, #tpu.memory_space<hbm>>
      %dma_start3A_27 = arith.constant 0 : i32
      %dma_start3A_28 = tpu.memref_slice %arg4[%add3A_10, %dma_start3A_27] : memref<49152x128xf32, #tpu.memory_space<hbm>> -> memref<512x128xf32, #tpu.memory_space<hbm>>
      tpu.enqueue_dma source(%arg6 : memref<512x128xf32, #tpu.memory_space<vmem>>) target(%dma_start3A_28 : memref<512x128xf32, #tpu.memory_space<hbm>>) target_semaphore(%run_scoped3A : memref<!tpu.dma_semaphore, #tpu.memory_space<semaphore_mem>>)
      %dma_wait3A_29 = arith.constant 0 : i32
      %dma_wait3A_30 = tpu.memref_slice %arg4[%add3A_10, %dma_wait3A_29] : memref<49152x128xf32, #tpu.memory_space<hbm>> -> memref<512x128xf32, #tpu.memory_space<hbm>>
      %dma_wait3A_31 = arith.constant 0 : i32
      %dma_wait3A_32 = tpu.memref_slice %arg4[%add3A_10, %dma_wait3A_31] : memref<49152x128xf32, #tpu.memory_space<hbm>> -> memref<512x128xf32, #tpu.memory_space<hbm>>
      tpu.wait_dma2 semaphore(%run_scoped3A : memref<!tpu.dma_semaphore, #tpu.memory_space<semaphore_mem>>) src(%arg6 : memref<512x128xf32, #tpu.memory_space<vmem>>) dst(%dma_wait3A_32 : memref<512x128xf32, #tpu.memory_space<hbm>>)
      tpu.yield
    }) : () -> ()
    %add3A_17 = arith.constant 1024 : i32
    %add3A_18 = arith.addi %mul3A_2, %add3A_17 : i32
    "tpu.region"() ({
      %run_scoped3A = tpu.sem_alloc : memref<!tpu.dma_semaphore, #tpu.memory_space<semaphore_mem>>
      %dma_start3A_25 = tpu.memref_slice %arg3[%add3A_18] : memref<49152xi32, #tpu.memory_space<hbm>> -> memref<512xi32, #tpu.memory_space<hbm>>
      %dma_start3A_26 = tpu.memref_slice %arg3[%add3A_18] : memref<49152xi32, #tpu.memory_space<hbm>> -> memref<512xi32, #tpu.memory_space<hbm>>
      tpu.enqueue_dma source(%dma_start3A_26 : memref<512xi32, #tpu.memory_space<hbm>>) target(%arg5 : memref<512xi32, #tpu.memory_space<vmem>>) target_semaphore(%run_scoped3A : memref<!tpu.dma_semaphore, #tpu.memory_space<semaphore_mem>>)
      %dma_wait3A_27 = tpu.memref_slice %arg3[%add3A_18] : memref<49152xi32, #tpu.memory_space<hbm>> -> memref<512xi32, #tpu.memory_space<hbm>>
      %dma_wait3A_28 = tpu.memref_slice %arg3[%add3A_18] : memref<49152xi32, #tpu.memory_space<hbm>> -> memref<512xi32, #tpu.memory_space<hbm>>
      tpu.wait_dma2 semaphore(%run_scoped3A : memref<!tpu.dma_semaphore, #tpu.memory_space<semaphore_mem>>) src(%dma_wait3A_28 : memref<512xi32, #tpu.memory_space<hbm>>) dst(%arg5 : memref<512xi32, #tpu.memory_space<vmem>>)
      tpu.yield
    }) : () -> ()
    %dma_start3A_19 = arith.constant 0 : i32
    %dma_start3A_20 = arith.constant 0 : i32
    %dma_start3A_21 = tpu.memref_slice %arg2[%dma_start3A_19, %dma_start3A_20] : memref<8192x128xf32, #tpu.memory_space<hbm>> -> memref<8192x128xf32, #tpu.memory_space<hbm>>
    tpu.enqueue_indirect_dma source(%dma_start3A_21 : memref<8192x128xf32, #tpu.memory_space<hbm>>) target(%arg6 : memref<512x128xf32, #tpu.memory_space<vmem>>) offsets(%arg5 : memref<512xi32, #tpu.memory_space<vmem>>) semaphore(%arg7 : memref<!tpu.dma_semaphore, #tpu.memory_space<semaphore_mem>>)
    %dma_wait3A_22 = arith.constant 0 : i32
    %dma_wait3A_23 = arith.constant 0 : i32
    %dma_wait3A_24 = tpu.memref_slice %arg2[%dma_wait3A_22, %dma_wait3A_23] : memref<8192x128xf32, #tpu.memory_space<hbm>> -> memref<8192x128xf32, #tpu.memory_space<hbm>>
    tpu.wait_indirect_dma semaphore(%arg7 : memref<!tpu.dma_semaphore, #tpu.memory_space<semaphore_mem>>) src(%dma_wait3A_24 : memref<8192x128xf32, #tpu.memory_space<hbm>>) dst(%arg6 : memref<512x128xf32, #tpu.memory_space<vmem>>)
    "tpu.region"() ({
      %run_scoped3A = tpu.sem_alloc : memref<!tpu.dma_semaphore, #tpu.memory_space<semaphore_mem>>
      %dma_start3A_25 = arith.constant 0 : i32
      %dma_start3A_26 = tpu.memref_slice %arg4[%add3A_18, %dma_start3A_25] : memref<49152x128xf32, #tpu.memory_space<hbm>> -> memref<512x128xf32, #tpu.memory_space<hbm>>
      %dma_start3A_27 = arith.constant 0 : i32
      %dma_start3A_28 = tpu.memref_slice %arg4[%add3A_18, %dma_start3A_27] : memref<49152x128xf32, #tpu.memory_space<hbm>> -> memref<512x128xf32, #tpu.memory_space<hbm>>
      tpu.enqueue_dma source(%arg6 : memref<512x128xf32, #tpu.memory_space<vmem>>) target(%dma_start3A_28 : memref<512x128xf32, #tpu.memory_space<hbm>>) target_semaphore(%run_scoped3A : memref<!tpu.dma_semaphore, #tpu.memory_space<semaphore_mem>>)
      %dma_wait3A_29 = arith.constant 0 : i32
      %dma_wait3A_30 = tpu.memref_slice %arg4[%add3A_18, %dma_wait3A_29] : memref<49152x128xf32, #tpu.memory_space<hbm>> -> memref<512x128xf32, #tpu.memory_space<hbm>>
      %dma_wait3A_31 = arith.constant 0 : i32
      %dma_wait3A_32 = tpu.memref_slice %arg4[%add3A_18, %dma_wait3A_31] : memref<49152x128xf32, #tpu.memory_space<hbm>> -> memref<512x128xf32, #tpu.memory_space<hbm>>
      tpu.wait_dma2 semaphore(%run_scoped3A : memref<!tpu.dma_semaphore, #tpu.memory_space<semaphore_mem>>) src(%arg6 : memref<512x128xf32, #tpu.memory_space<vmem>>) dst(%dma_wait3A_32 : memref<512x128xf32, #tpu.memory_space<hbm>>)
      tpu.yield
    }) : () -> ()
    return
  }
}

module attributes {stable_mosaic.version = 14 : i64} {
  func.func @_nn_kernel(%arg0: i32, %arg1: memref<128x4xf32, #tpu.memory_space<vmem>>, %arg2: memref<4x8192xi32, #tpu.memory_space<vmem>>, %arg3: memref<128x128xf32, #tpu.memory_space<vmem>>) attributes {dimension_semantics = [#tpu.dimension_semantics<arbitrary>], iteration_bounds = array<i64: 128>, scalar_prefetch = 0 : i64, scratch_operands = 0 : i64, tpu.core_type = #tpu.core_type<tc>, window_params = [{transform_indices = @transform_0, window_bounds = array<i64: 128, 4>}, {pipeline_mode = #tpu.pipeline_mode<synchronous>, transform_indices = @transform_1, window_bounds = array<i64: 4, 8192>}, {transform_indices = @transform_2, window_bounds = array<i64: 128, 128>}]} {
    %get3A = arith.constant 0 : index
    %get3A_0 = arith.constant 0 : index
    %get3A_1 = vector.load %arg2[%get3A, %get3A_0] : memref<4x8192xi32, #tpu.memory_space<vmem>>, vector<4x8192xi32>
    %convert_element_type3A = arith.sitofp %get3A_1 : vector<4x8192xi32> to vector<4x8192xf32>
    %slice3A = vector.extract_strided_slice %convert_element_type3A {offsets = [0, 0], sizes = [1, 8192], strides = [1, 1]} : vector<4x8192xf32> to vector<1x8192xf32>
    %slice3A_2 = vector.extract_strided_slice %convert_element_type3A {offsets = [3, 0], sizes = [1, 8192], strides = [1, 1]} : vector<4x8192xf32> to vector<1x8192xf32>
    %mul3A = arith.constant 5.000000e-02 : f32
    %mul3A_3 = vector.broadcast %mul3A : f32 to vector<1x8192xf32>
    %mul3A_4 = arith.mulf %slice3A_2, %mul3A_3 : vector<1x8192xf32>
    %add3A = arith.constant 5.000000e-02 : f32
    %add3A_5 = vector.broadcast %add3A : f32 to vector<1x8192xf32>
    %add3A_6 = arith.addf %mul3A_4, %add3A_5 : vector<1x8192xf32>
    %add3A_7 = arith.constant 2.500000e-02 : f32
    %add3A_8 = vector.broadcast %add3A_7 : f32 to vector<1x8192xf32>
    %add3A_9 = arith.addf %add3A_6, %add3A_8 : vector<1x8192xf32>
    %slice3A_10 = vector.extract_strided_slice %convert_element_type3A {offsets = [2, 0], sizes = [1, 8192], strides = [1, 1]} : vector<4x8192xf32> to vector<1x8192xf32>
    %mul3A_11 = arith.constant 5.000000e-02 : f32
    %mul3A_12 = vector.broadcast %mul3A_11 : f32 to vector<1x8192xf32>
    %mul3A_13 = arith.mulf %slice3A_10, %mul3A_12 : vector<1x8192xf32>
    %add3A_14 = arith.constant 5.000000e-02 : f32
    %add3A_15 = vector.broadcast %add3A_14 : f32 to vector<1x8192xf32>
    %add3A_16 = arith.addf %mul3A_13, %add3A_15 : vector<1x8192xf32>
    %add3A_17 = arith.constant 2.500000e-02 : f32
    %add3A_18 = vector.broadcast %add3A_17 : f32 to vector<1x8192xf32>
    %add3A_19 = arith.addf %add3A_16, %add3A_18 : vector<1x8192xf32>
    %slice3A_20 = vector.extract_strided_slice %convert_element_type3A {offsets = [1, 0], sizes = [1, 8192], strides = [1, 1]} : vector<4x8192xf32> to vector<1x8192xf32>
    %mul3A_21 = arith.constant 1.000000e-01 : f32
    %mul3A_22 = vector.broadcast %mul3A_21 : f32 to vector<1x8192xf32>
    %mul3A_23 = arith.mulf %slice3A_20, %mul3A_22 : vector<1x8192xf32>
    %add3A_24 = arith.constant 1.000000e-01 : f32
    %add3A_25 = vector.broadcast %add3A_24 : f32 to vector<1x8192xf32>
    %add3A_26 = arith.addf %mul3A_23, %add3A_25 : vector<1x8192xf32>
    %add3A_27 = arith.constant 5.000000e-02 : f32
    %add3A_28 = vector.broadcast %add3A_27 : f32 to vector<1x8192xf32>
    %add3A_29 = arith.addf %add3A_26, %add3A_28 : vector<1x8192xf32>
    %mul3A_30 = arith.mulf %slice3A, %slice3A : vector<1x8192xf32>
    %mul3A_31 = arith.mulf %add3A_9, %add3A_9 : vector<1x8192xf32>
    %add3A_32 = arith.addf %mul3A_30, %mul3A_31 : vector<1x8192xf32>
    %mul3A_33 = arith.mulf %add3A_19, %add3A_19 : vector<1x8192xf32>
    %add3A_34 = arith.addf %add3A_32, %mul3A_33 : vector<1x8192xf32>
    %mul3A_35 = arith.mulf %add3A_29, %add3A_29 : vector<1x8192xf32>
    %add3A_36 = arith.addf %add3A_34, %mul3A_35 : vector<1x8192xf32>
    %concatenate3A = tpu.concatenate %slice3A, %add3A_9, %add3A_19, %add3A_29 in 0 : vector<1x8192xf32>, vector<1x8192xf32>, vector<1x8192xf32>, vector<1x8192xf32> -> vector<4x8192xf32>
    %get3A_37 = arith.constant 0 : index
    %get3A_38 = arith.constant 0 : index
    %get3A_39 = vector.load %arg1[%get3A_37, %get3A_38] : memref<128x4xf32, #tpu.memory_space<vmem>>, vector<128x4xf32>
    %slice3A_40 = vector.extract_strided_slice %get3A_39 {offsets = [0, 0], sizes = [128, 1], strides = [1, 1]} : vector<128x4xf32> to vector<128x1xf32>
    %slice3A_41 = vector.extract_strided_slice %get3A_39 {offsets = [0, 1], sizes = [128, 1], strides = [1, 1]} : vector<128x4xf32> to vector<128x1xf32>
    %slice3A_42 = vector.extract_strided_slice %get3A_39 {offsets = [0, 2], sizes = [128, 1], strides = [1, 1]} : vector<128x4xf32> to vector<128x1xf32>
    %slice3A_43 = vector.extract_strided_slice %get3A_39 {offsets = [0, 3], sizes = [128, 1], strides = [1, 1]} : vector<128x4xf32> to vector<128x1xf32>
    %mul3A_44 = arith.mulf %slice3A_40, %slice3A_40 : vector<128x1xf32>
    %mul3A_45 = arith.mulf %slice3A_41, %slice3A_41 : vector<128x1xf32>
    %add3A_46 = arith.addf %mul3A_44, %mul3A_45 : vector<128x1xf32>
    %mul3A_47 = arith.mulf %slice3A_42, %slice3A_42 : vector<128x1xf32>
    %add3A_48 = arith.addf %add3A_46, %mul3A_47 : vector<128x1xf32>
    %mul3A_49 = arith.mulf %slice3A_43, %slice3A_43 : vector<128x1xf32>
    %add3A_50 = arith.addf %add3A_48, %mul3A_49 : vector<128x1xf32>
    %dot_general3A = arith.constant dense<0.000000e+00> : vector<128x8192xf32>
    %dot_general3A_51 = tpu.matmul %get3A_39, %concatenate3A, %dot_general3A {dimension_numbers = #tpu.dot_dimension_numbers<[1], [0], [0], [1], [0, 0, 1, 1], [], []>, transpose_lhs_hint = false} : vector<128x4xf32>, vector<4x8192xf32>, vector<128x8192xf32> -> vector<128x8192xf32>
    %add3A_52 = vector.broadcast %add3A_50 : vector<128x1xf32> to vector<128x8192xf32>
    %add3A_53 = vector.broadcast %add3A_36 : vector<1x8192xf32> to vector<128x8192xf32>
    %add3A_54 = arith.addf %add3A_52, %add3A_53 : vector<128x8192xf32>
    %mul3A_55 = arith.constant 2.000000e+00 : f32
    %mul3A_56 = vector.broadcast %mul3A_55 : f32 to vector<128x8192xf32>
    %mul3A_57 = arith.mulf %mul3A_56, %dot_general3A_51 : vector<128x8192xf32>
    %sub3A = arith.subf %add3A_54, %mul3A_57 : vector<128x8192xf32>
    %max3A = arith.constant 0.000000e+00 : f32
    %max3A_58 = vector.broadcast %max3A : f32 to vector<128x8192xf32>
    %max3A_59 = arith.maximumf %sub3A, %max3A_58 : vector<128x8192xf32>
    %iota3A = tpu.iota {dimensions = array<i32: 1>} : vector<128x8192xi32>
    %convert_element_type3A_60 = arith.sitofp %iota3A : vector<128x8192xi32> to vector<128x8192xf32>
    %reduce_min3A = arith.constant dense<0x7F800000> : vector<128xf32>
    %reduce_min3A_61 = vector.multi_reduction <minimumf>, %max3A_59, %reduce_min3A [1] : vector<128x8192xf32> to vector<128xf32>
    %broadcast_in_dim3A = vector.shape_cast %reduce_min3A_61 : vector<128xf32> to vector<128x1xf32>
    %eq3A = vector.broadcast %broadcast_in_dim3A : vector<128x1xf32> to vector<128x8192xf32>
    %eq3A_62 = arith.cmpf oeq, %max3A_59, %eq3A : vector<128x8192xf32>
    %jit3A = arith.constant 8.192000e+03 : f32
    %broadcast_in_dim3A_63 = vector.broadcast %jit3A : f32 to vector<128x8192xf32>
    %select_n3A = arith.select %eq3A_62, %convert_element_type3A_60, %broadcast_in_dim3A_63 : vector<128x8192xi1>, vector<128x8192xf32>
    %reduce_min3A_64 = arith.constant dense<0x7F800000> : vector<128xf32>
    %reduce_min3A_65 = vector.multi_reduction <minimumf>, %select_n3A, %reduce_min3A_64 [1] : vector<128x8192xf32> to vector<128xf32>
    %broadcast_in_dim3A_66 = vector.shape_cast %reduce_min3A_65 : vector<128xf32> to vector<128x1xf32>
    %jit3A_67 = arith.constant 1.000000e+30 : f32
    %broadcast_in_dim3A_68 = vector.broadcast %jit3A_67 : f32 to vector<128x8192xf32>
    %select_n3A_69 = arith.select %eq3A_62, %broadcast_in_dim3A_68, %max3A_59 : vector<128x8192xi1>, vector<128x8192xf32>
    %reduce_min3A_70 = arith.constant dense<0x7F800000> : vector<128xf32>
    %reduce_min3A_71 = vector.multi_reduction <minimumf>, %select_n3A_69, %reduce_min3A_70 [1] : vector<128x8192xf32> to vector<128xf32>
    %broadcast_in_dim3A_72 = vector.shape_cast %reduce_min3A_71 : vector<128xf32> to vector<128x1xf32>
    %eq3A_73 = vector.broadcast %broadcast_in_dim3A_72 : vector<128x1xf32> to vector<128x8192xf32>
    %eq3A_74 = arith.cmpf oeq, %select_n3A_69, %eq3A_73 : vector<128x8192xf32>
    %jit3A_75 = arith.constant 8.192000e+03 : f32
    %broadcast_in_dim3A_76 = vector.broadcast %jit3A_75 : f32 to vector<128x8192xf32>
    %select_n3A_77 = arith.select %eq3A_74, %convert_element_type3A_60, %broadcast_in_dim3A_76 : vector<128x8192xi1>, vector<128x8192xf32>
    %reduce_min3A_78 = arith.constant dense<0x7F800000> : vector<128xf32>
    %reduce_min3A_79 = vector.multi_reduction <minimumf>, %select_n3A_77, %reduce_min3A_78 [1] : vector<128x8192xf32> to vector<128xf32>
    %broadcast_in_dim3A_80 = vector.shape_cast %reduce_min3A_79 : vector<128xf32> to vector<128x1xf32>
    %jit3A_81 = arith.constant 1.000000e+30 : f32
    %broadcast_in_dim3A_82 = vector.broadcast %jit3A_81 : f32 to vector<128x8192xf32>
    %select_n3A_83 = arith.select %eq3A_74, %broadcast_in_dim3A_82, %select_n3A_69 : vector<128x8192xi1>, vector<128x8192xf32>
    %reduce_min3A_84 = arith.constant dense<0x7F800000> : vector<128xf32>
    %reduce_min3A_85 = vector.multi_reduction <minimumf>, %select_n3A_83, %reduce_min3A_84 [1] : vector<128x8192xf32> to vector<128xf32>
    %broadcast_in_dim3A_86 = vector.shape_cast %reduce_min3A_85 : vector<128xf32> to vector<128x1xf32>
    %eq3A_87 = vector.broadcast %broadcast_in_dim3A_86 : vector<128x1xf32> to vector<128x8192xf32>
    %eq3A_88 = arith.cmpf oeq, %select_n3A_83, %eq3A_87 : vector<128x8192xf32>
    %jit3A_89 = arith.constant 8.192000e+03 : f32
    %broadcast_in_dim3A_90 = vector.broadcast %jit3A_89 : f32 to vector<128x8192xf32>
    %select_n3A_91 = arith.select %eq3A_88, %convert_element_type3A_60, %broadcast_in_dim3A_90 : vector<128x8192xi1>, vector<128x8192xf32>
    %reduce_min3A_92 = arith.constant dense<0x7F800000> : vector<128xf32>
    %reduce_min3A_93 = vector.multi_reduction <minimumf>, %select_n3A_91, %reduce_min3A_92 [1] : vector<128x8192xf32> to vector<128xf32>
    %broadcast_in_dim3A_94 = vector.shape_cast %reduce_min3A_93 : vector<128xf32> to vector<128x1xf32>
    %add3A_95 = arith.constant 9.99999993E-9 : f32
    %add3A_96 = vector.broadcast %add3A_95 : f32 to vector<128x1xf32>
    %add3A_97 = arith.addf %broadcast_in_dim3A, %add3A_96 : vector<128x1xf32>
    %div3A = arith.constant 1.000000e+00 : f32
    %div3A_98 = vector.broadcast %div3A : f32 to vector<128x1xf32>
    %div3A_99 = arith.divf %div3A_98, %add3A_97 : vector<128x1xf32>
    %add3A_100 = arith.constant 9.99999993E-9 : f32
    %add3A_101 = vector.broadcast %add3A_100 : f32 to vector<128x1xf32>
    %add3A_102 = arith.addf %broadcast_in_dim3A_72, %add3A_101 : vector<128x1xf32>
    %div3A_103 = arith.constant 1.000000e+00 : f32
    %div3A_104 = vector.broadcast %div3A_103 : f32 to vector<128x1xf32>
    %div3A_105 = arith.divf %div3A_104, %add3A_102 : vector<128x1xf32>
    %add3A_106 = arith.constant 9.99999993E-9 : f32
    %add3A_107 = vector.broadcast %add3A_106 : f32 to vector<128x1xf32>
    %add3A_108 = arith.addf %broadcast_in_dim3A_86, %add3A_107 : vector<128x1xf32>
    %div3A_109 = arith.constant 1.000000e+00 : f32
    %div3A_110 = vector.broadcast %div3A_109 : f32 to vector<128x1xf32>
    %div3A_111 = arith.divf %div3A_110, %add3A_108 : vector<128x1xf32>
    %add3A_112 = arith.addf %div3A_99, %div3A_105 : vector<128x1xf32>
    %add3A_113 = arith.addf %add3A_112, %div3A_111 : vector<128x1xf32>
    %div3A_114 = arith.divf %div3A_99, %add3A_113 : vector<128x1xf32>
    %div3A_115 = arith.divf %div3A_105, %add3A_113 : vector<128x1xf32>
    %div3A_116 = arith.divf %div3A_111, %add3A_113 : vector<128x1xf32>
    %broadcast_in_dim3A_117 = arith.constant 0.000000e+00 : f32
    %broadcast_in_dim3A_118 = vector.broadcast %broadcast_in_dim3A_117 : f32 to vector<128x122xf32>
    %concatenate3A_119 = tpu.concatenate %broadcast_in_dim3A_66, %broadcast_in_dim3A_80, %broadcast_in_dim3A_94, %div3A_114, %div3A_115, %div3A_116, %broadcast_in_dim3A_118 in 1 : vector<128x1xf32>, vector<128x1xf32>, vector<128x1xf32>, vector<128x1xf32>, vector<128x1xf32>, vector<128x1xf32>, vector<128x122xf32> -> vector<128x128xf32>
    %swap3A = arith.constant 0 : index
    %swap3A_120 = arith.constant 0 : index
    %swap3A_121 = vector.load %arg3[%swap3A, %swap3A_120] : memref<128x128xf32, #tpu.memory_space<vmem>>, vector<128x128xf32>
    tpu.vector_store %arg3[%swap3A, %swap3A_120], %concatenate3A_119 {strides = array<i32>} : memref<128x128xf32, #tpu.memory_space<vmem>>, vector<128x128xf32>,
    return
  }
  func.func @transform_0(%arg0: i32) -> (i32, i32) {
    %c0_i32 = arith.constant 0 : i32
    %c0_i32_0 = arith.constant 0 : i32
    return %arg0, %c0_i32 : i32, i32
  }
  func.func @transform_1(%arg0: i32) -> (i32, i32) {
    %c0_i32 = arith.constant 0 : i32
    %c0_i32_0 = arith.constant 0 : i32
    %c0_i32_1 = arith.constant 0 : i32
    return %c0_i32, %c0_i32_0 : i32, i32
  }
  func.func @transform_2(%arg0: i32) -> (i32, i32) {
    %c0_i32 = arith.constant 0 : i32
    %c0_i32_0 = arith.constant 0 : i32
    return %arg0, %c0_i32 : i32, i32
  }
}

module attributes {stable_mosaic.version = 14 : i64} {
  func.func @_combine_kernel(%arg0: i32, %arg1: memref<2048x128xf32, #tpu.memory_space<vmem>>, %arg2: memref<2048x128xf32, #tpu.memory_space<vmem>>, %arg3: memref<2048x128xf32, #tpu.memory_space<vmem>>, %arg4: memref<2048x128xf32, #tpu.memory_space<vmem>>, %arg5: memref<2048x128xf32, #tpu.memory_space<vmem>>) attributes {dimension_semantics = [#tpu.dimension_semantics<arbitrary>], iteration_bounds = array<i64: 8>, scalar_prefetch = 0 : i64, scratch_operands = 0 : i64, tpu.core_type = #tpu.core_type<tc>, window_params = [{transform_indices = @transform_0, window_bounds = array<i64: 2048, 128>}, {transform_indices = @transform_1, window_bounds = array<i64: 2048, 128>}, {transform_indices = @transform_2, window_bounds = array<i64: 2048, 128>}, {transform_indices = @transform_3, window_bounds = array<i64: 2048, 128>}, {transform_indices = @transform_4, window_bounds = array<i64: 2048, 128>}]} {
    %get3A = arith.constant 0 : index
    %get3A_0 = arith.constant 0 : index
    %get3A_1 = vector.load %arg4[%get3A, %get3A_0] : memref<2048x128xf32, #tpu.memory_space<vmem>>, vector<2048x128xf32>
    %get3A_2 = arith.constant 0 : index
    %get3A_3 = arith.constant 0 : index
    %get3A_4 = vector.load %arg1[%get3A_2, %get3A_3] : memref<2048x128xf32, #tpu.memory_space<vmem>>, vector<2048x128xf32>
    %slice3A = vector.extract_strided_slice %get3A_1 {offsets = [0, 3], sizes = [2048, 1], strides = [1, 1]} : vector<2048x128xf32> to vector<2048x1xf32>
    %mul3A = vector.broadcast %slice3A : vector<2048x1xf32> to vector<2048x128xf32>
    %mul3A_5 = arith.mulf %get3A_4, %mul3A : vector<2048x128xf32>
    %get3A_6 = arith.constant 0 : index
    %get3A_7 = arith.constant 0 : index
    %get3A_8 = vector.load %arg2[%get3A_6, %get3A_7] : memref<2048x128xf32, #tpu.memory_space<vmem>>, vector<2048x128xf32>
    %slice3A_9 = vector.extract_strided_slice %get3A_1 {offsets = [0, 4], sizes = [2048, 1], strides = [1, 1]} : vector<2048x128xf32> to vector<2048x1xf32>
    %mul3A_10 = vector.broadcast %slice3A_9 : vector<2048x1xf32> to vector<2048x128xf32>
    %mul3A_11 = arith.mulf %get3A_8, %mul3A_10 : vector<2048x128xf32>
    %add3A = arith.addf %mul3A_5, %mul3A_11 : vector<2048x128xf32>
    %get3A_12 = arith.constant 0 : index
    %get3A_13 = arith.constant 0 : index
    %get3A_14 = vector.load %arg3[%get3A_12, %get3A_13] : memref<2048x128xf32, #tpu.memory_space<vmem>>, vector<2048x128xf32>
    %slice3A_15 = vector.extract_strided_slice %get3A_1 {offsets = [0, 5], sizes = [2048, 1], strides = [1, 1]} : vector<2048x128xf32> to vector<2048x1xf32>
    %mul3A_16 = vector.broadcast %slice3A_15 : vector<2048x1xf32> to vector<2048x128xf32>
    %mul3A_17 = arith.mulf %get3A_14, %mul3A_16 : vector<2048x128xf32>
    %add3A_18 = arith.addf %add3A, %mul3A_17 : vector<2048x128xf32>
    %swap3A = arith.constant 0 : index
    %swap3A_19 = arith.constant 0 : index
    %swap3A_20 = vector.load %arg5[%swap3A, %swap3A_19] : memref<2048x128xf32, #tpu.memory_space<vmem>>, vector<2048x128xf32>
    tpu.vector_store %arg5[%swap3A, %swap3A_19], %add3A_18 {strides = array<i32>} : memref<2048x128xf32, #tpu.memory_space<vmem>>, vector<2048x128xf32>,
    return
  }
  func.func @transform_0(%arg0: i32) -> (i32, i32) {
    %c0_i32 = arith.constant 0 : i32
    %c0_i32_0 = arith.constant 0 : i32
    return %arg0, %c0_i32 : i32, i32
  }
  func.func @transform_1(%arg0: i32) -> (i32, i32) {
    %add3A = arith.constant 8 : i32
    %add3A_0 = arith.addi %arg0, %add3A : i32
    %c0_i32 = arith.constant 0 : i32
    %c0_i32_1 = arith.constant 0 : i32
    return %add3A_0, %c0_i32 : i32, i32
  }
  func.func @transform_2(%arg0: i32) -> (i32, i32) {
    %add3A = arith.constant 16 : i32
    %add3A_0 = arith.addi %arg0, %add3A : i32
    %c0_i32 = arith.constant 0 : i32
    %c0_i32_1 = arith.constant 0 : i32
    return %add3A_0, %c0_i32 : i32, i32
  }
  func.func @transform_3(%arg0: i32) -> (i32, i32) {
    %c0_i32 = arith.constant 0 : i32
    %c0_i32_0 = arith.constant 0 : i32
    return %arg0, %c0_i32 : i32, i32
  }
  func.func @transform_4(%arg0: i32) -> (i32, i32) {
    %c0_i32 = arith.constant 0 : i32
    %c0_i32_0 = arith.constant 0 : i32
    return %arg0, %c0_i32 : i32, i32
  }
}

</mosaic_0001>

<sc_bundles>
// kernel: kernel.5.cloned.1.call-start
scs
__scs_entry_jumppad:
0x0: {  	(pc) =	sbr.rel $0x88, $3  }
0x1: {  	(tag) =	ssettag $0x0;
	lr =	simm.s32 $0x1  }
0x2: {  	[smem:$0x3F9E] =	sst lr;
	_ =	strace $0xD0000000  }
0x3: {  	_ = 	snop  }
0x4: {  	_ = 	snop  }
0x5: {  	_ = 	snop  }
0x6: {  	_ = 	snop  }
0x7: {  	_ = 	snop  }
__scs_overlays_trampoline_lowered:
0x8: {  	[smem:$0x3FAD] =	sst s0  }
0x9: {  	[smem:$0x3FAE] =	sst s1  }
0xa: {  	[smem:$0x3FAF] =	sst s2  }
0xb: {  	[smem:$0x3FB0] =	sst s3  }
0xc: {  	[smem:$0x3FB1] =	sst s4  }
0xd: {  	[smem:$0x3FB2] =	sst s5  }
0xe: {  	[smem:$0x3FB3] =	sst s6  }
0xf: {  	[smem:$0x3FB4] =	sst s7  }
0x10: {  	[smem:$0x3FB5] =	sst s8  }
0x11: {  	[smem:$0x3FB6] =	sst s9;
	s0 =	simm.s32 @!p0 $0x0  }
0x12: {  	s1 =	sld [smem:$0x3F9C];
	s0 =	simm.s32 @p0 $0x1  }
0x13: {  	[smem:$0x3FB7] =	sst s0;
	s0 =	simm.s32 @!p1 $0x0  }
0x14: {  	s2 =	sld [smem:$0x3F9B];
	s0 =	simm.s32 @p1 $0x1  }
0x15: {  	[smem:$0x3FB8] =	sst s0;
	s0 =	simm.s32 @!p2 $0x0  }
0x16: {  	s3 =	sld [smem:$0x3FDB];
	s0 =	simm.s32 @p2 $0x1  }
0x17: {  	s4 =	simm.s32 $0x1BF5;
	[smem:$0x3FBA] =	sst s0  }
0x18: {  	s0 =	sld [smem:$0x3F9D];
	_ =	swait.ge [sflag:s4], $0x0  }
0x19: {  	s7 =	sld [smem:$0x3F9E]  }
0x1a: {  	s8 =	sadd.s32 $0xFFFFE003, lr  }
0x1b: {  	s9 =	sadd.s32 $0xFFFFFEF7, lr;
	s5 =	simm.s32 $0xFFFFFFFF;
	p2 =	slt.u32 s8, $0xFFFFF086  }
0x1c: {  	p1 =	slt.u32 s9, $0xF7A;
	s5 =	simm.s32 @!p2 $0x0  }
0x1d: {  	s5 =	simm.s32 @p1 $0x1;
	p0 =	seq.s32 s7, s2  }
0x1e: {  	s7 =	smul.u32 @!p0 $0xF7A, s2;
	p2 =	seq.s32 @!p0 s5, $0x0  }
0x1f: {  	s9 =	smul.u32 $0xF7A, s1;
	s8 =	simm.s32 @!p0 $0x1BF5;
	p2 =	por !p2, p0  }
0x20: {  	[sflag:s8] =	ssyncset.s32 @!p0 $0xFFFFF086;
	s6 =	sadd.s32 @!p0 s3, s7;
	s7 =	simm.s32 @!p0 $0x108  }
0x21: {  	s3 =	sadd.s32 s3, s9;
	s6 =	sadd.s32 @!p0 $0x88, s6;
	s7 =	simm.s32 @p2 $0x1082  }
0x22: {  	[simem:s7], [sflag:s8] =	dma.local @!p0 [hbm:s6], $0xF7A  }
0x23: {  	s9 =	sor.u32 $0xD0000000, s2;
	s6 =	simm.s32 $0x108;
	_ =	swait.ge @!p0 [sflag:s8], $0x0  }
0x24: {  	s3 =	sadd.s32 $0x88, s3;
	s6 =	simm.s32 @!p1 $0x1082;
	[sflag:s4] =	ssyncset.s32 $0xFFFFF086  }
0x25: {  	[simem:s6], [sflag:s4] =	dma.local [hbm:s3], $0xF7A  }
0x26: {  	[smem:$0x3F9E] =	sst s1;
	(tag) =	ssettag s2;
	_ =	strace s9  }
0x27: {  	s1 =	sld [smem:$0x3FAE]  }
0x28: {  	s2 =	sld [smem:$0x3FAF]  }
0x29: {  	s4 =	sld [smem:$0x3FB1]  }
0x2a: {  	p0 =	seq.s32 s5, $0x0;
	s5 =	sld [smem:$0x3FB2]  }
0x2b: {  	s6 =	sld [smem:$0x3FB3]  }
0x2c: {  	s7 =	sld [smem:$0x3FB4]  }
0x2d: {  	s3 =	simm.s32 $0x108;
	s8 =	sld [smem:$0x3FB5]  }
0x2e: {  	s3 =	simm.s32 @!p0 $0x1082;
	s9 =	sld [smem:$0x3FB6]  }
0x2f: {  	lr =	sadd.s32 s0, s3;
	s0 =	sld [smem:$0x3FAD]  }
0x30: {  	s3 =	sld [smem:$0x3FB0]  }
0x31: {  	[smem:$0x3FB9] =	sst s10  }
0x32: {  	s10 =	sld [smem:$0x3FB7];
	_ =	sdelay $0x3  }
0x33: {  	p0 =	seq.s32 s10, $0x1;
	s10 =	sld [smem:$0x3FB9];
	_ =	sdelay $0x3  }
0x34: {  	[smem:$0x3FB9] =	sst s10  }
0x35: {  	s10 =	sld [smem:$0x3FB8];
	_ =	sdelay $0x3  }
0x36: {  	p1 =	seq.s32 s10, $0x1;
	s10 =	sld [smem:$0x3FB9];
	_ =	sdelay $0x3  }
0x37: {  	[smem:$0x3FB9] =	sst s10  }
0x38: {  	s10 =	sld [smem:$0x3FBA]  }
0x39: {  	_ = 	snop;
	(pc) =	sbr.ind lr, $3  }
0x3a: {  	_ = 	snop  }
0x3b: {  	_ = 	snop  }
0x3c: {  	p2 =	seq.s32 s10, $0x1;
	s10 =	sld [smem:$0x3FB9]  }
0x3d: {  	_ =	shalt  }
0x3e: {  	_ =	shalt  }
0x3f: {  	_ =	shalt  }
0x40: {  	_ =	shalt  }
0x41: {  	_ =	shalt  }
0x42: {  	_ =	shalt  }
0x43: {  	_ =	shalt  }
0x44: {  	_ =	shalt  }
0x45: {  	_ =	shalt  }
0x46: {  	_ =	shalt  }
0x47: {  	_ =	shalt  }
0x48: {  	_ =	shalt  }
0x49: {  	_ =	shalt  }
0x4a: {  	_ =	shalt  }
0x4b: {  	_ =	shalt  }
0x4c: {  	_ =	shalt  }
0x4d: {  	_ =	shalt  }
0x4e: {  	_ =	shalt  }
0x4f: {  	_ =	shalt  }
0x50: {  	_ =	shalt  }
0x51: {  	_ =	shalt  }
0x52: {  	_ =	shalt  }
0x53: {  	_ =	shalt  }
0x54: {  	_ =	shalt  }
0x55: {  	_ =	shalt  }
0x56: {  	_ =	shalt  }
0x57: {  	_ =	shalt  }
0x58: {  	_ =	shalt  }
0x59: {  	_ =	shalt  }
0x5a: {  	_ =	shalt  }
0x5b: {  	_ =	shalt  }
0x5c: {  	_ =	shalt  }
0x5d: {  	_ =	shalt  }
0x5e: {  	_ =	shalt  }
0x5f: {  	_ =	shalt  }
0x60: {  	_ =	shalt  }
0x61: {  	_ =	shalt  }
0x62: {  	_ =	shalt  }
0x63: {  	_ =	shalt  }
0x64: {  	_ =	shalt  }
0x65: {  	_ =	shalt  }
0x66: {  	_ =	shalt  }
0x67: {  	_ =	shalt  }
0x68: {  	_ =	shalt  }
0x69: {  	_ =	shalt  }
0x6a: {  	_ =	shalt  }
0x6b: {  	_ =	shalt  }
0x6c: {  	_ =	shalt  }
0x6d: {  	_ =	shalt  }
0x6e: {  	_ =	shalt  }
0x6f: {  	_ =	shalt  }
0x70: {  	_ =	shalt  }
0x71: {  	_ =	shalt  }
0x72: {  	_ =	shalt  }
0x73: {  	_ =	shalt  }
0x74: {  	_ =	shalt  }
0x75: {  	_ =	shalt  }
0x76: {  	_ =	shalt  }
0x77: {  	_ =	shalt  }
0x78: {  	_ =	shalt  }
0x79: {  	_ =	shalt  }
0x7a: {  	_ =	shalt  }
0x7b: {  	_ =	shalt  }
0x7c: {  	_ =	shalt  }
0x7d: {  	_ =	shalt  }
0x7e: {  	_ =	shalt  }
0x7f: {  	_ =	shalt  }
0x80: {  	_ =	shalt  }
0x81: {  	_ =	shalt  }
0x82: {  	_ =	shalt  }
0x83: {  	_ =	shalt  }
0x84: {  	_ =	shalt  }
0x85: {  	_ =	shalt  }
0x86: {  	_ =	shalt  }
0x87: {  	_ =	shalt  }
.Lfunc_end0:
.L_simem_size_0:
called_computation_lowered:
.L_overlay_start_0:
0x88: {  	s2 =	sld [smem:$0x3FD9]  }
0x89: {  	s3 =	sld [smem:$0x3FFE];
	_ =	sdelay $0x1  }
0x8a: {  	s1 =	srdreg.scid  }
0x8b: {  	s0 =	sand.u32 $0x1, s1  }
0x8c: {  	s17 =	sshll.u32 s0, $0xA;
	s2 =	sadd.s32 s3, s2  }
0x8d: {  	s2 =	sadd.s32 s2, s17  }
0x8e: {  	[smem:$0x3FC5] =	sst s2  }
0x8f: {  	_ = 	snop  }
0x90: {  	s2 =	sld [smem:$0x3FC9]  }
0x91: {  	s18 =	sld [smem:$0x3FD0];
	(tm) =	ssettm $0x1  }
0x92: {  	s4 =	sld [smem:$0x3FFB];
	_ =	sdelay $0x3  }
0x93: {  	_ =	strace s4  }
0x94: {  	s4 =	sld [smem:$0x3FFC];
	_ =	sdelay $0x3  }
0x95: {  	_ =	strace s4  }
0x96: {  	s4 =	sld [smem:$0x3FFD];
	_ =	sdelay $0x3  }
0x97: {  	_ =	strace s4  }
0x98: {  	_ =	strace $0x8FFFFFFF  }
0x99: {  	s19 =	sld [smem:$0x3FDB];
	_ =	sdelay $0x1  }
0x9a: {  	s5 =	simm.s32 $_scs_section_size  }
0x9b: {  	s6 =	simm.s32 $_size__tile_overlayer_lowered;
	s7 =	simm.s32 $_tile_overlayer_lowered  }
0x9c: {  	s22 =	simm.s32 $0x1BFF;
	s21 =	sshll.u32 s7, $0x1;
	s4 =	sadd.s32 s5, s19  }
0x9d: {  	s8 =	simm.s32 $0x0;
	s20 =	sshll.u32 s6, $0x1;
	s6 =	sadd.s32 s21, s4  }
0x9e: {  	[timem:s8], [sflag:s22] =	dma.local [hbm:s6], s20  }
0x9f: {  	_ =	swait.ge [sflag:s22], s20  }
0xa0: {  	s5 =	ssub.s32 $0x0, s20;
	[sflag:s22] =	ssyncset.done $0x0  }
0xa1: {  	[sflag:s22] =	ssyncadd.s32 s5;
	_ =	sdelay $0x1  }
0xa2: {  	s23 =	simm.s32 $0x1B8B  }
0xa3: {  	_ =	swait.ge [sflag:s23], $0x1  }
0xa4: {  	[sflag:s23] =	ssyncset.done $0x0  }
0xa5: {  	s25 =	simm.s32 $0x1B8E;
	s24 =	sld [smem:$0x3FFE];
	[sflag:s23] =	ssyncadd.s32 $0xFFFFFFFF  }
0xa6: {  	s26 =	simm.s32 $execute0_lowered;
	[smem:$0x3FD2] =	sst s25  }
0xa7: {  	s6 =	sshll.u32 s26, $0x1;
	_ =	strace $0x80000046;
	[dreg:$0x1] =	wrdreg $0xFFFFFFFF  }
0xa8: {  	s28 =	simm.s32 $_size_execute0_lowered;
	s4 =	sadd.s32 s4, s6;
	[dreg:$0x0] =	wrdreg $0x0  }
0xa9: {  	s6 =	sshll.u32 s28, $0x1;
	[dreg:$0x2] =	wrdreg s4  }
0xaa: {  	[dreg:$0x3] =	wrdreg s6  }
0xab: {  	[dreg:$0x4] =	wrdreg $0xC0  }
0xac: {  	_ =	task [dreg:s8], $0x5FFFF  }
0xad: {  	[dreg:$0x1] =	wrdreg $0xFFFFFFFF  }
0xae: {  	[dreg:$0x0] =	wrdreg $0x60  }
0xaf: {  	[dreg:$0x2] =	wrdreg s2  }
0xb0: {  	[dreg:$0x3] =	wrdreg s18  }
0xb1: {  	[dreg:$0x4] =	wrdreg s24  }
0xb2: {  	[dreg:$0x5] =	wrdreg $0x9  }
0xb3: {  	_ =	task.clear_ibuf [dreg:s8], $0x6FFFF;
	_ =	strace $0x90000046  }
0xb4: {  	s29 =	simm.s32 $0x9;
	_ =	strace $0x80000048  }
0xb5: {  	_ =	swait.ge [sflag:s29], $0x1  }
0xb6: {  	[sflag:s29] =	ssyncadd.s32 $0xFFFFFFFF  }
0xb7: {  	_ =	strace $0x90000048  }
0xb8: {  	_ =	sfence  }
0xb9: {  	s30 =	sld [smem:$0x0];
	_ =	sdelay $0x2  }
0xba: {  	s31 =	sshll.u32 s1, $0xD;
	s1 =	sshrl.u32 s1, $0x2  }
0xbb: {  	s3 =	sand.u32 $0x4000, s31;
	s1 =	sadd.s32 s1, s30  }
0xbc: {  	s0 =	sor.u32 s3, s0;
	s1 =	sshll.u32 s1, $0x11  }
0xbd: {  	s0 =	sor.u32 s1, s0  }
0xbe: {  	s0 =	sadd.s32 $0x8F2B, s0  }
0xbf: {  	[sflag:s0] =	ssyncadd.remote.s32 $0x1  }
0xc0: {  	_ =	sfence.sel $0xFFFF  }
0xc1: {  	[dreg:$0x0] =	wrdreg $0xFFFFFFFF;
	(pc) =	sbr.abs _section_cstart, $3  }
0xc2: {  	[dreg:$0x1] =	wrdreg $0xFFFFFFFF  }
0xc3: {  	_ =	task.clear_ibuf [dreg:s8], $0x2FFFF;
	_ =	strace $0x9FFFFFFF  }
0xc4: {  	(tm) =	ssettm $0x7FFFFFFF  }
0xc5: {  	_ =	shalt  }
tec
execute0_lowered:
.L_overlay_start_1:
0x0: {  	(tag) =	ssettag $0x1  }
0x1: {  	s1 =	srdreg.scid;
	s0 =	stileid.u32  }
0x2: {  	s2 =	rddreg [dreg:$0x0];
	s12 =	sand.u32 $0x1, s1;
	s26 =	sshll.u32 s0, $0x1  }
0x3: {  	s11 =	rddreg [dreg:$0x1];
	s8 =	sor.u32 s12, s26  }
0x4: {  	s9 =	rddreg [dreg:$0x2];
	s13 =	smul.u32 $0x600, s8  }
0x5: {  	s3 =	simm.s32 $0x0;
	s1 =	rddreg [dreg:$0x3]  }
0x6: {  	[smem:$0x7FF] =	sst s3;
	s4 =	sshrl.u32 s13, $0x3  }
0x7: {  	_ =	strace $0x80000047;
	s5 =	sadd.s32 s11, s4;
	s4 =	simm.s32 $0x2  }
0x8: {  	[tilespmem:s3], [sflag:$0x2] =	stream.linear.gather [hbm4b:s5+s3], $0x200, $0x38;
	[tilespmem:$0x10200] =	vst v63  }
0x9: {  	_ =	swait.ge [sflag:s4], $0x200  }
0xa: {  	[sflag:s4] =	ssyncset.done $0x0  }
0xb: {  	s6 =	simm.s32 $0x200;
	s7 =	simm.s32 $0x1;
	[sflag:s4] =	ssyncadd.s32 $0xFFFFFE00  }
0xc: {  	[tilespmem:s6], [sflag:$0x1] =	stream.indirect.gather [hbm4b:s2+s6], $0x80, s3, s6, $0xb8;
	[tilespmem:$0x10200] =	vst v63  }
0xd: {  	s8 =	smul.u32 $0x6000, s8;
	_ =	swait.ge [sflag:s7], $0x10000  }
0xe: {  	s14 =	sadd.s32 $0x600, s9;
	[sflag:s7] =	ssyncset.done $0x0  }
0xf: {  	s8 =	sadd.s32 s14, s8;
	[sflag:s7] =	ssyncadd.s32 $0xFFFF0000  }
0x10: {  	[hbm4b:s8+s3] =	stream.linear.scatter [tilespmem:s6], [sflag:$0x2], $0x10000, $0x38;
	[tilespmem:$0x10200] =	vst v63  }
0x11: {  	s10 =	sadd.s32 $0x200, s13;
	_ =	swait.ge [sflag:s4], $0x10000  }
0x12: {  	s28 =	sshrl.u32 s10, $0x3;
	[sflag:s4] =	ssyncset.done $0x0  }
0x13: {  	s9 =	sadd.s32 s11, s28;
	[sflag:s4] =	ssyncadd.s32 $0xFFFF0000  }
0x14: {  	[tilespmem:s3], [sflag:$0x2] =	stream.linear.gather [hbm4b:s9+s3], $0x200, $0x38;
	[tilespmem:$0x10200] =	vst v63  }
0x15: {  	_ =	swait.ge [sflag:s4], $0x200  }
0x16: {  	[sflag:s4] =	ssyncset.done $0x0  }
0x17: {  	[sflag:s4] =	ssyncadd.s32 $0xFFFFFE00  }
0x18: {  	[tilespmem:s6], [sflag:$0x1] =	stream.indirect.gather [hbm4b:s2+s6], $0x80, s3, s6, $0xb8;
	[tilespmem:$0x10200] =	vst v63  }
0x19: {  	_ =	swait.ge [sflag:s7], $0x10000  }
0x1a: {  	s10 =	sshll.u32 s10, $0x4;
	[sflag:s7] =	ssyncset.done $0x0  }
0x1b: {  	s10 =	sadd.s32 s14, s10;
	[sflag:s7] =	ssyncadd.s32 $0xFFFF0000  }
0x1c: {  	[hbm4b:s10+s3] =	stream.linear.scatter [tilespmem:s6], [sflag:$0x2], $0x10000, $0x38;
	[tilespmem:$0x10200] =	vst v63  }
0x1d: {  	s13 =	sadd.s32 $0x400, s13;
	_ =	swait.ge [sflag:s4], $0x10000  }
0x1e: {  	s15 =	sshrl.u32 s13, $0x3;
	[sflag:s4] =	ssyncset.done $0x0  }
0x1f: {  	s12 =	ssub.s32 $0x2, s12;
	s11 =	sadd.s32 s11, s15;
	[sflag:s4] =	ssyncadd.s32 $0xFFFF0000  }
0x20: {  	[tilespmem:s3], [sflag:$0x2] =	stream.linear.gather [hbm4b:s11+s3], $0x200, $0x38;
	[tilespmem:$0x10200] =	vst v63  }
0x21: {  	s29 =	sshrl.u32 s12, $0x1;
	_ =	swait.ge [sflag:s4], $0x200  }
0x22: {  	s15 =	ssub.s32 s12, s29;
	[sflag:s4] =	ssyncset.done $0x0  }
0x23: {  	s31 =	smax.u32 s15, $0x1;
	[sflag:s4] =	ssyncadd.s32 $0xFFFFFE00  }
0x24: {  	[tilespmem:s6], [sflag:$0x1] =	stream.indirect.gather [hbm4b:s2+s6], $0x80, s3, s6, $0xb8;
	[tilespmem:$0x10200] =	vst v63  }
0x25: {  	p0 =	sne.s32 s31, $0x1;
	_ =	swait.ge [sflag:s7], $0x10000  }
.Ltmp0:
0x26: {  	s30 =	sshll.u32 s13, $0x4;
	[sflag:s7] =	ssyncset.done $0x0;
	(pc) =	sbr.rel @!p0 .LBB2_2-.Ltmp0, $4  }
0x27: {  	s12 =	sadd.s32 s14, s30;
	[sflag:s7] =	ssyncadd.s32 $0xFFFF0000  }
0x28: {  	[hbm4b:s12+s3] =	stream.linear.scatter [tilespmem:s6], [sflag:$0x2], $0x10000, $0x38;
	[tilespmem:$0x10200] =	vst v63  }
0x29: {  	_ =	swait.ge [sflag:s4], $0x10000  }
0x2a: {  	s13 =	sadd.s32 $0xFFFFFFFF, s31;
	[sflag:s4] =	ssyncset.done $0x0  }
.LBB2_1:
0x2b: {  	p0 =	sne.s32 s13, $0x1;
	s13 =	sadd.s32 $0xFFFFFFFF, s13;
	[sflag:s4] =	ssyncadd.s32 $0xFFFF0000  }
0x2c: {  	[tilespmem:s3], [sflag:$0x2] =	stream.linear.gather [hbm4b:s5+s3], $0x200, $0x38;
	[tilespmem:$0x10200] =	vst v63  }
0x2d: {  	_ =	swait.ge [sflag:s4], $0x200  }
0x2e: {  	[sflag:s4] =	ssyncset.done $0x0  }
0x2f: {  	[sflag:s4] =	ssyncadd.s32 $0xFFFFFE00  }
0x30: {  	[tilespmem:s6], [sflag:$0x1] =	stream.indirect.gather [hbm4b:s2+s6], $0x80, s3, s6, $0xb8;
	[tilespmem:$0x10200] =	vst v63  }
0x31: {  	_ =	swait.ge [sflag:s7], $0x10000  }
0x32: {  	[sflag:s7] =	ssyncset.done $0x0  }
0x33: {  	[sflag:s7] =	ssyncadd.s32 $0xFFFF0000  }
0x34: {  	[hbm4b:s8+s3] =	stream.linear.scatter [tilespmem:s6], [sflag:$0x2], $0x10000, $0x38;
	[tilespmem:$0x10200] =	vst v63  }
0x35: {  	_ =	swait.ge [sflag:s4], $0x10000  }
0x36: {  	[sflag:s4] =	ssyncset.done $0x0  }
0x37: {  	[sflag:s4] =	ssyncadd.s32 $0xFFFF0000  }
0x38: {  	[tilespmem:s3], [sflag:$0x2] =	stream.linear.gather [hbm4b:s9+s3], $0x200, $0x38;
	[tilespmem:$0x10200] =	vst v63  }
0x39: {  	_ =	swait.ge [sflag:s4], $0x200  }
0x3a: {  	[sflag:s4] =	ssyncset.done $0x0  }
0x3b: {  	[sflag:s4] =	ssyncadd.s32 $0xFFFFFE00  }
0x3c: {  	[tilespmem:s6], [sflag:$0x1] =	stream.indirect.gather [hbm4b:s2+s6], $0x80, s3, s6, $0xb8;
	[tilespmem:$0x10200] =	vst v63  }
0x3d: {  	_ =	swait.ge [sflag:s7], $0x10000  }
0x3e: {  	[sflag:s7] =	ssyncset.done $0x0  }
0x3f: {  	[sflag:s7] =	ssyncadd.s32 $0xFFFF0000  }
0x40: {  	[hbm4b:s10+s3] =	stream.linear.scatter [tilespmem:s6], [sflag:$0x2], $0x10000, $0x38;
	[tilespmem:$0x10200] =	vst v63  }
0x41: {  	_ =	swait.ge [sflag:s4], $0x10000  }
0x42: {  	[sflag:s4] =	ssyncset.done $0x0  }
0x43: {  	[sflag:s4] =	ssyncadd.s32 $0xFFFF0000  }
0x44: {  	[tilespmem:s3], [sflag:$0x2] =	stream.linear.gather [hbm4b:s11+s3], $0x200, $0x38;
	[tilespmem:$0x10200] =	vst v63  }
0x45: {  	_ =	swait.ge [sflag:s4], $0x200  }
0x46: {  	[sflag:s4] =	ssyncset.done $0x0  }
0x47: {  	[sflag:s4] =	ssyncadd.s32 $0xFFFFFE00  }
0x48: {  	[tilespmem:s6], [sflag:$0x1] =	stream.indirect.gather [hbm4b:s2+s6], $0x80, s3, s6, $0xb8;
	[tilespmem:$0x10200] =	vst v63  }
0x49: {  	_ =	swait.ge [sflag:s7], $0x10000  }
.Ltmp1:
0x4a: {  	[sflag:s7] =	ssyncset.done $0x0;
	(pc) =	sbr.rel @p0 .LBB2_1-.Ltmp1, $4  }
0x4b: {  	[sflag:s7] =	ssyncadd.s32 $0xFFFF0000  }
0x4c: {  	[hbm4b:s12+s3] =	stream.linear.scatter [tilespmem:s6], [sflag:$0x2], $0x10000, $0x38;
	[tilespmem:$0x10200] =	vst v63  }
0x4d: {  	_ =	swait.ge [sflag:s4], $0x10000  }
0x4e: {  	[sflag:s4] =	ssyncset.done $0x0  }
.LBB2_2:
0x4f: {  	[sflag:s4] =	ssyncadd.s32 $0xFFFF0000  }
0x50: {  	_ =	sfence.sel $0x180000  }
0x51: {  	[bflag:$0x0] =	sbarrier.arrive $0xFFFF  }
0x52: {  	p0 =	sne.s32 s0, $0x0;
	_ =	strace $0x90000047  }
0x53: {  	s0 =	sadd.s32 @!p0 $0x100000, s1;
	[bflag:$0x2] =	sbarrier.arrive $0xFFFF  }
0x54: {  	[sflag:s0] =	ssyncadd.tile.s32 @!p0 $0x1;
	_ =	shalt  }
.Lfunc_end2:
_tile_overlayer_lowered:
.L_overlay_start_2:
0x55: {  	(tag) =	ssettag $0x2  }
0x56: {  	s0 =	rddreg [dreg:$0x0];
	s2 =	stileid.u32  }
0x57: {  	s1 =	rddreg [dreg:$0x1];
	p0 =	sne.s32 s2, $0x0  }
0x58: {  	s3 =	rddreg [dreg:$0x2];
	[bflag:$0x3] =	sbarrier.arrive $0xFFFF;
	s2 =	simm.s32 @!p0 $0x1C02  }
0x59: {  	[timem:s3], [sflag:s2] =	dma.local @!p0 [hbm:s0], s1  }
0x5a: {  	s0 =	simm.s32 @!p0 $0x2  }
0x5b: {  	_ =	swait.ge @!p0 [sflag:s0], s1  }
0x5c: {  	s1 =	ssub.s32 @!p0 $0x0, s1;
	[sflag:s0] =	ssyncset.done @!p0 $0x0  }
0x5d: {  	[sflag:s0] =	ssyncadd.s32 @!p0 s1  }
0x5e: {  	[bflag:$0x3] =	sbarrier.arrive $0xFFFF  }
0x5f: {  	_ =	shalt  }

</sc_bundles>
